<compile_context>
chip_gen: v7x
topology: tpu7x:2x2x1
jax: 0.10.2.dev20260603
libtpu: 0.0.44.dev20260713+nightly
codegen_flags: <defaults>
</compile_context>

<pallas_src>
import jax
import jax.numpy as jnp
from jax import lax
from jax.experimental import pallas as pl
from jax.experimental.pallas import tpu as pltpu
from jax.experimental.pallas import tpu_sc as plsc

N = 16384
NS = 16
L = 16
PER = N // NS


def _sc_body(lg_hbm, tg_hbm, out_hbm, lg_v, tg_v, accv, red_v, outv, shared,
             sem1, sem2):
    sid = lax.axis_index("s")
    base = sid * PER
    cp1 = pltpu.async_copy(lg_hbm.at[pl.ds(base, PER)], lg_v, sem1)
    cp2 = pltpu.async_copy(tg_hbm.at[pl.ds(base, PER)], tg_v, sem2)

    zeros = jnp.zeros((L,), jnp.float32)
    for k in range(4):
        accv[pl.ds(k * L, L)] = zeros
    cp1.wait()
    cp2.wait()
    accv[pl.ds(0, L)] = lg_v[pl.ds(0, L)] + tg_v[pl.ds(0, L)]

    pub_off = pl.multiple_of(sid * (4 * L), 8)
    pltpu.sync_copy(accv, shared.at[pl.ds(pub_off, 4 * L)])
    plsc.subcore_barrier()

    @pl.when(sid == 0)
    def _():
        pltpu.sync_copy(shared, red_v)
        cnt = zeros
        for i in range(NS):
            cnt = cnt + red_v[pl.ds(i * 4 * L, L)]
        outv[pl.ds(0, L)] = cnt
        pltpu.sync_copy(outv, out_hbm)


@jax.jit
def _cal_loss(logits, targets):
    mesh = plsc.VectorSubcoreMesh(
        core_axis_name="c", subcore_axis_name="s", num_cores=1)
    f = pl.kernel(
        _sc_body,
        out_type=jax.ShapeDtypeStruct((L,), jnp.float32),
        mesh=mesh,
        compiler_params=pltpu.CompilerParams(needs_layout_passes=False),
        scratch_types=[
            pltpu.VMEM((PER,), jnp.float32),
            pltpu.VMEM((PER,), jnp.float32),
            pltpu.VMEM((4 * L,), jnp.float32),
            pltpu.VMEM((NS * 4 * L,), jnp.float32),
            pltpu.VMEM((L,), jnp.float32),
            pltpu.VMEM_SHARED((NS * 4 * L,), jnp.float32),
            pltpu.SemaphoreType.DMA,
            pltpu.SemaphoreType.DMA,
        ],
    )
    return f(logits, targets)[0]


def kernel(logits, targets):
    return _cal_loss(logits, targets)

# --- scband reference (transcript-rebuilt; emitter-appended) ---
"""Pipeline reference for scband-calibration-loss-7791070675344 (READ-ONLY COPY).

The authoritative reference and input builder live on the scoring server;
editing this copy changes nothing except your own understanding.
"""

import jax, jax.numpy as jnp
import numpy as np

CAL_WEIGHT = 0.1
NUM_BINS = 10


def setup_inputs(seed: int = 0) -> dict:
    key = jax.random.key(seed)
    k1, k2 = jax.random.split(key)
    logits = jax.random.normal(k1, (16384,), dtype=jnp.float32)
    targets = jax.random.uniform(k2, (16384,), dtype=jnp.float32)
    return {"logits": logits, "targets": targets}


def _bce_with_logits(logits, targets):
    # numerically-stable BCE-with-logits, mean reduction (matches torch default)
    return jnp.mean(jnp.maximum(logits, 0.0) - logits * targets
                    + jnp.log1p(jnp.exp(-jnp.abs(logits))))


def _compute_ece(probs, targets, num_bins):
    boundaries = jnp.linspace(0.0, 1.0, num_bins + 1)
    n = jnp.float32(probs.size)
    ece = jnp.float32(0.0)
    for i in range(num_bins):
        lo = boundaries[i]
        hi = boundaries[i + 1]
        in_bin = (probs > lo) & (probs <= hi)
        cnt = jnp.sum(in_bin.astype(jnp.float32))
        prop_in_bin = cnt / n
        safe_cnt = jnp.maximum(cnt, 1.0)
        acc_in_bin = jnp.sum(jnp.where(in_bin, targets, 0.0)) / safe_cnt
        conf_in_bin = jnp.sum(jnp.where(in_bin, probs, 0.0)) / safe_cnt
        contrib = jnp.abs(conf_in_bin - acc_in_bin) * prop_in_bin
        ece = ece + jnp.where(prop_in_bin > 0, contrib, 0.0)
    return ece


def reference(logits, targets):
    base_loss = _bce_with_logits(logits, targets)
    probs = jax.nn.sigmoid(logits)
    ece = _compute_ece(probs, targets, NUM_BINS)
    return base_loss + CAL_WEIGHT * ece

if __name__ == "__main__":
    import jax
    _d = setup_inputs()
    print(jax.jit(kernel)(*tuple(_d.values())))

</pallas_src>

<mosaic_0001>
#map = affine_map<(d0, d1) -> (0)>
module attributes {stable_mosaic.version = 14 : i64} {
  func.func @_sc_body(%arg0: i32, %arg1: i32, %arg2: memref<16384xf32, #tpu.memory_space<hbm>>, %arg3: memref<16384xf32, #tpu.memory_space<hbm>>, %arg4: memref<16xf32, #tpu.memory_space<hbm>>, %arg5: memref<1024xf32, #tpu.memory_space<vmem>>, %arg6: memref<1024xf32, #tpu.memory_space<vmem>>, %arg7: memref<64xf32, #tpu.memory_space<vmem>>, %arg8: memref<1024xf32, #tpu.memory_space<vmem>>, %arg9: memref<16xf32, #tpu.memory_space<vmem>>, %arg10: memref<1024xf32, #tpu.memory_space<vmem_shared>>, %arg11: memref<!tpu.dma_semaphore, #tpu.memory_space<semaphore_mem>>, %arg12: memref<!tpu.dma_semaphore, #tpu.memory_space<semaphore_mem>>) attributes {dimension_semantics = [#tpu.dimension_semantics<core_parallel>, #tpu.dimension_semantics<subcore_parallel>], iteration_bounds = array<i64: 1, 16>, scalar_prefetch = 0 : i64, scratch_operands = 8 : i64, tpu.core_type = #tpu.core_type<sc_vector_subcore>, window_params = [{transform_indices = #map}, {transform_indices = #map}, {transform_indices = #map}]} {
    %mul3A = arith.constant 1024 : i32
    %mul3A_0 = arith.muli %arg1, %mul3A : i32
    %dma_start3A = tpu.memref_slice %arg2[%mul3A_0] : memref<16384xf32, #tpu.memory_space<hbm>> -> memref<1024xf32, #tpu.memory_space<hbm>>
    %dma_start3A_1 = tpu.memref_slice %arg2[%mul3A_0] : memref<16384xf32, #tpu.memory_space<hbm>> -> memref<1024xf32, #tpu.memory_space<hbm>>
    tpu.enqueue_dma source(%dma_start3A_1 : memref<1024xf32, #tpu.memory_space<hbm>>) target(%arg5 : memref<1024xf32, #tpu.memory_space<vmem>>) target_semaphore(%arg11 : memref<!tpu.dma_semaphore, #tpu.memory_space<semaphore_mem>>)
    %dma_start3A_2 = tpu.memref_slice %arg3[%mul3A_0] : memref<16384xf32, #tpu.memory_space<hbm>> -> memref<1024xf32, #tpu.memory_space<hbm>>
    %dma_start3A_3 = tpu.memref_slice %arg3[%mul3A_0] : memref<16384xf32, #tpu.memory_space<hbm>> -> memref<1024xf32, #tpu.memory_space<hbm>>
    tpu.enqueue_dma source(%dma_start3A_3 : memref<1024xf32, #tpu.memory_space<hbm>>) target(%arg6 : memref<1024xf32, #tpu.memory_space<vmem>>) target_semaphore(%arg12 : memref<!tpu.dma_semaphore, #tpu.memory_space<semaphore_mem>>)
    %broadcast_in_dim3A = arith.constant 0.000000e+00 : f32
    %broadcast_in_dim3A_4 = vector.broadcast %broadcast_in_dim3A : f32 to vector<16xf32>
    %swap3A = arith.constant 0 : index
    %swap3A_5 = tpu.vector_load %arg7[%swap3A] {strides = array<i32>} : memref<64xf32, #tpu.memory_space<vmem>>, vector<16xf32>,
    tpu.vector_store %arg7[%swap3A], %broadcast_in_dim3A_4 {strides = array<i32>} : memref<64xf32, #tpu.memory_space<vmem>>, vector<16xf32>,
    %swap3A_6 = arith.constant 16 : index
    %swap3A_7 = tpu.vector_load %arg7[%swap3A_6] {strides = array<i32>} : memref<64xf32, #tpu.memory_space<vmem>>, vector<16xf32>,
    tpu.vector_store %arg7[%swap3A_6], %broadcast_in_dim3A_4 {strides = array<i32>} : memref<64xf32, #tpu.memory_space<vmem>>, vector<16xf32>,
    %swap3A_8 = arith.constant 32 : index
    %swap3A_9 = tpu.vector_load %arg7[%swap3A_8] {strides = array<i32>} : memref<64xf32, #tpu.memory_space<vmem>>, vector<16xf32>,
    tpu.vector_store %arg7[%swap3A_8], %broadcast_in_dim3A_4 {strides = array<i32>} : memref<64xf32, #tpu.memory_space<vmem>>, vector<16xf32>,
    %swap3A_10 = arith.constant 48 : index
    %swap3A_11 = tpu.vector_load %arg7[%swap3A_10] {strides = array<i32>} : memref<64xf32, #tpu.memory_space<vmem>>, vector<16xf32>,
    tpu.vector_store %arg7[%swap3A_10], %broadcast_in_dim3A_4 {strides = array<i32>} : memref<64xf32, #tpu.memory_space<vmem>>, vector<16xf32>,
    %dma_wait3A = tpu.memref_slice %arg2[%mul3A_0] : memref<16384xf32, #tpu.memory_space<hbm>> -> memref<1024xf32, #tpu.memory_space<hbm>>
    %dma_wait3A_12 = tpu.memref_slice %arg2[%mul3A_0] : memref<16384xf32, #tpu.memory_space<hbm>> -> memref<1024xf32, #tpu.memory_space<hbm>>
    tpu.wait_dma2 semaphore(%arg11 : memref<!tpu.dma_semaphore, #tpu.memory_space<semaphore_mem>>) src(%dma_wait3A_12 : memref<1024xf32, #tpu.memory_space<hbm>>) dst(%arg5 : memref<1024xf32, #tpu.memory_space<vmem>>)
    %dma_wait3A_13 = tpu.memref_slice %arg3[%mul3A_0] : memref<16384xf32, #tpu.memory_space<hbm>> -> memref<1024xf32, #tpu.memory_space<hbm>>
    %dma_wait3A_14 = tpu.memref_slice %arg3[%mul3A_0] : memref<16384xf32, #tpu.memory_space<hbm>> -> memref<1024xf32, #tpu.memory_space<hbm>>
    tpu.wait_dma2 semaphore(%arg12 : memref<!tpu.dma_semaphore, #tpu.memory_space<semaphore_mem>>) src(%dma_wait3A_14 : memref<1024xf32, #tpu.memory_space<hbm>>) dst(%arg6 : memref<1024xf32, #tpu.memory_space<vmem>>)
    %get3A = arith.constant 0 : index
    %get3A_15 = tpu.vector_load %arg5[%get3A] {strides = array<i32>} : memref<1024xf32, #tpu.memory_space<vmem>>, vector<16xf32>,
    %get3A_16 = arith.constant 0 : index
    %get3A_17 = tpu.vector_load %arg6[%get3A_16] {strides = array<i32>} : memref<1024xf32, #tpu.memory_space<vmem>>, vector<16xf32>,
    %add3A = arith.addf %get3A_15, %get3A_17 : vector<16xf32>
    %swap3A_18 = arith.constant 0 : index
    %swap3A_19 = tpu.vector_load %arg7[%swap3A_18] {strides = array<i32>} : memref<64xf32, #tpu.memory_space<vmem>>, vector<16xf32>,
    tpu.vector_store %arg7[%swap3A_18], %add3A {strides = array<i32>} : memref<64xf32, #tpu.memory_space<vmem>>, vector<16xf32>,
    %mul3A_20 = arith.constant 64 : i32
    %mul3A_21 = arith.muli %arg1, %mul3A_20 : i32
    %multiple_of3A = tpu.assume_multiple %mul3A_21, 8 : i32
    "tpu.region"() ({
      %run_scoped3A = tpu.sem_alloc : memref<!tpu.dma_semaphore, #tpu.memory_space<semaphore_mem>>
      %dma_start3A_24 = tpu.memref_slice %arg10[%multiple_of3A] : memref<1024xf32, #tpu.memory_space<vmem_shared>> -> memref<64xf32, #tpu.memory_space<vmem_shared>>
      %dma_start3A_25 = tpu.memref_slice %arg10[%multiple_of3A] : memref<1024xf32, #tpu.memory_space<vmem_shared>> -> memref<64xf32, #tpu.memory_space<vmem_shared>>
      tpu.enqueue_dma source(%arg7 : memref<64xf32, #tpu.memory_space<vmem>>) target(%dma_start3A_25 : memref<64xf32, #tpu.memory_space<vmem_shared>>) target_semaphore(%run_scoped3A : memref<!tpu.dma_semaphore, #tpu.memory_space<semaphore_mem>>)
      %dma_wait3A_26 = tpu.memref_slice %arg10[%multiple_of3A] : memref<1024xf32, #tpu.memory_space<vmem_shared>> -> memref<64xf32, #tpu.memory_space<vmem_shared>>
      %dma_wait3A_27 = tpu.memref_slice %arg10[%multiple_of3A] : memref<1024xf32, #tpu.memory_space<vmem_shared>> -> memref<64xf32, #tpu.memory_space<vmem_shared>>
      tpu.wait_dma2 semaphore(%run_scoped3A : memref<!tpu.dma_semaphore, #tpu.memory_space<semaphore_mem>>) src(%arg7 : memref<64xf32, #tpu.memory_space<vmem>>) dst(%dma_wait3A_27 : memref<64xf32, #tpu.memory_space<vmem_shared>>)
      tpu.yield
    }) : () -> ()
    %barrier3A = arith.constant 0 : index
    tpu.barrier barrier_id(%barrier3A)
    %eq3A = arith.constant 0 : i32
    %eq3A_22 = arith.cmpi eq, %arg1, %eq3A : i32
    %convert_element_type3A = arith.extui %eq3A_22 : i1 to i32
    %cond3A = arith.constant 0 : i32
    %cond3A_23 = arith.cmpi ne, %convert_element_type3A, %cond3A : i32
    scf.if %cond3A_23 {
      "tpu.region"() ({
        %run_scoped3A = tpu.sem_alloc : memref<!tpu.dma_semaphore, #tpu.memory_space<semaphore_mem>>
        tpu.enqueue_dma source(%arg10 : memref<1024xf32, #tpu.memory_space<vmem_shared>>) target(%arg8 : memref<1024xf32, #tpu.memory_space<vmem>>) target_semaphore(%run_scoped3A : memref<!tpu.dma_semaphore, #tpu.memory_space<semaphore_mem>>)
        tpu.wait_dma2 semaphore(%run_scoped3A : memref<!tpu.dma_semaphore, #tpu.memory_space<semaphore_mem>>) src(%arg10 : memref<1024xf32, #tpu.memory_space<vmem_shared>>) dst(%arg8 : memref<1024xf32, #tpu.memory_space<vmem>>)
        tpu.yield
      }) : () -> ()
      %get3A_24 = arith.constant 0 : index
      %get3A_25 = tpu.vector_load %arg8[%get3A_24] {strides = array<i32>} : memref<1024xf32, #tpu.memory_space<vmem>>, vector<16xf32>,
      %add3A_26 = arith.addf %broadcast_in_dim3A_4, %get3A_25 : vector<16xf32>
      %get3A_27 = arith.constant 64 : index
      %get3A_28 = tpu.vector_load %arg8[%get3A_27] {strides = array<i32>} : memref<1024xf32, #tpu.memory_space<vmem>>, vector<16xf32>,
      %add3A_29 = arith.addf %add3A_26, %get3A_28 : vector<16xf32>
      %get3A_30 = arith.constant 128 : index
      %get3A_31 = tpu.vector_load %arg8[%get3A_30] {strides = array<i32>} : memref<1024xf32, #tpu.memory_space<vmem>>, vector<16xf32>,
      %add3A_32 = arith.addf %add3A_29, %get3A_31 : vector<16xf32>
      %get3A_33 = arith.constant 192 : index
      %get3A_34 = tpu.vector_load %arg8[%get3A_33] {strides = array<i32>} : memref<1024xf32, #tpu.memory_space<vmem>>, vector<16xf32>,
      %add3A_35 = arith.addf %add3A_32, %get3A_34 : vector<16xf32>
      %get3A_36 = arith.constant 256 : index
      %get3A_37 = tpu.vector_load %arg8[%get3A_36] {strides = array<i32>} : memref<1024xf32, #tpu.memory_space<vmem>>, vector<16xf32>,
      %add3A_38 = arith.addf %add3A_35, %get3A_37 : vector<16xf32>
      %get3A_39 = arith.constant 320 : index
      %get3A_40 = tpu.vector_load %arg8[%get3A_39] {strides = array<i32>} : memref<1024xf32, #tpu.memory_space<vmem>>, vector<16xf32>,
      %add3A_41 = arith.addf %add3A_38, %get3A_40 : vector<16xf32>
      %get3A_42 = arith.constant 384 : index
      %get3A_43 = tpu.vector_load %arg8[%get3A_42] {strides = array<i32>} : memref<1024xf32, #tpu.memory_space<vmem>>, vector<16xf32>,
      %add3A_44 = arith.addf %add3A_41, %get3A_43 : vector<16xf32>
      %get3A_45 = arith.constant 448 : index
      %get3A_46 = tpu.vector_load %arg8[%get3A_45] {strides = array<i32>} : memref<1024xf32, #tpu.memory_space<vmem>>, vector<16xf32>,
      %add3A_47 = arith.addf %add3A_44, %get3A_46 : vector<16xf32>
      %get3A_48 = arith.constant 512 : index
      %get3A_49 = tpu.vector_load %arg8[%get3A_48] {strides = array<i32>} : memref<1024xf32, #tpu.memory_space<vmem>>, vector<16xf32>,
      %add3A_50 = arith.addf %add3A_47, %get3A_49 : vector<16xf32>
      %get3A_51 = arith.constant 576 : index
      %get3A_52 = tpu.vector_load %arg8[%get3A_51] {strides = array<i32>} : memref<1024xf32, #tpu.memory_space<vmem>>, vector<16xf32>,
      %add3A_53 = arith.addf %add3A_50, %get3A_52 : vector<16xf32>
      %get3A_54 = arith.constant 640 : index
      %get3A_55 = tpu.vector_load %arg8[%get3A_54] {strides = array<i32>} : memref<1024xf32, #tpu.memory_space<vmem>>, vector<16xf32>,
      %add3A_56 = arith.addf %add3A_53, %get3A_55 : vector<16xf32>
      %get3A_57 = arith.constant 704 : index
      %get3A_58 = tpu.vector_load %arg8[%get3A_57] {strides = array<i32>} : memref<1024xf32, #tpu.memory_space<vmem>>, vector<16xf32>,
      %add3A_59 = arith.addf %add3A_56, %get3A_58 : vector<16xf32>
      %get3A_60 = arith.constant 768 : index
      %get3A_61 = tpu.vector_load %arg8[%get3A_60] {strides = array<i32>} : memref<1024xf32, #tpu.memory_space<vmem>>, vector<16xf32>,
      %add3A_62 = arith.addf %add3A_59, %get3A_61 : vector<16xf32>
      %get3A_63 = arith.constant 832 : index
      %get3A_64 = tpu.vector_load %arg8[%get3A_63] {strides = array<i32>} : memref<1024xf32, #tpu.memory_space<vmem>>, vector<16xf32>,
      %add3A_65 = arith.addf %add3A_62, %get3A_64 : vector<16xf32>
      %get3A_66 = arith.constant 896 : index
      %get3A_67 = tpu.vector_load %arg8[%get3A_66] {strides = array<i32>} : memref<1024xf32, #tpu.memory_space<vmem>>, vector<16xf32>,
      %add3A_68 = arith.addf %add3A_65, %get3A_67 : vector<16xf32>
      %get3A_69 = arith.constant 960 : index
      %get3A_70 = tpu.vector_load %arg8[%get3A_69] {strides = array<i32>} : memref<1024xf32, #tpu.memory_space<vmem>>, vector<16xf32>,
      %add3A_71 = arith.addf %add3A_68, %get3A_70 : vector<16xf32>
      %swap3A_72 = arith.constant 0 : index
      %swap3A_73 = tpu.vector_load %arg9[%swap3A_72] {strides = array<i32>} : memref<16xf32, #tpu.memory_space<vmem>>, vector<16xf32>,
      tpu.vector_store %arg9[%swap3A_72], %add3A_71 {strides = array<i32>} : memref<16xf32, #tpu.memory_space<vmem>>, vector<16xf32>,
      "tpu.region"() ({
        %run_scoped3A = tpu.sem_alloc : memref<!tpu.dma_semaphore, #tpu.memory_space<semaphore_mem>>
        tpu.enqueue_dma source(%arg9 : memref<16xf32, #tpu.memory_space<vmem>>) target(%arg4 : memref<16xf32, #tpu.memory_space<hbm>>) target_semaphore(%run_scoped3A : memref<!tpu.dma_semaphore, #tpu.memory_space<semaphore_mem>>)
        tpu.wait_dma2 semaphore(%run_scoped3A : memref<!tpu.dma_semaphore, #tpu.memory_space<semaphore_mem>>) src(%arg9 : memref<16xf32, #tpu.memory_space<vmem>>) dst(%arg4 : memref<16xf32, #tpu.memory_space<hbm>>)
        tpu.yield
      }) : () -> ()
    } else {
    }
    return
  }
}

</mosaic_0001>

<sc_bundles>
// kernel: _cal_loss.3.cloned.1.call-start
scs
__scs_entry_jumppad:
0x0: {  	(pc) =	sbr.rel $0x88, $3  }
0x1: {  	(tag) =	ssettag $0x0;
	lr =	simm.s32 $0x1  }
0x2: {  	[smem:$0x3F9F] =	sst lr;
	_ =	strace $0xD0000000  }
0x3: {  	_ = 	snop  }
0x4: {  	_ = 	snop  }
0x5: {  	_ = 	snop  }
0x6: {  	_ = 	snop  }
0x7: {  	_ = 	snop  }
__scs_overlays_trampoline_lowered:
0x8: {  	[smem:$0x3FAE] =	sst s0  }
0x9: {  	[smem:$0x3FAF] =	sst s1  }
0xa: {  	[smem:$0x3FB0] =	sst s2  }
0xb: {  	[smem:$0x3FB1] =	sst s3  }
0xc: {  	[smem:$0x3FB2] =	sst s4  }
0xd: {  	[smem:$0x3FB3] =	sst s5  }
0xe: {  	[smem:$0x3FB4] =	sst s6  }
0xf: {  	[smem:$0x3FB5] =	sst s7  }
0x10: {  	[smem:$0x3FB6] =	sst s8  }
0x11: {  	[smem:$0x3FB7] =	sst s9;
	s0 =	simm.s32 @!p0 $0x0  }
0x12: {  	s1 =	sld [smem:$0x3F9D];
	s0 =	simm.s32 @p0 $0x1  }
0x13: {  	[smem:$0x3FB8] =	sst s0;
	s0 =	simm.s32 @!p1 $0x0  }
0x14: {  	s2 =	sld [smem:$0x3F9C];
	s0 =	simm.s32 @p1 $0x1  }
0x15: {  	[smem:$0x3FB9] =	sst s0;
	s0 =	simm.s32 @!p2 $0x0  }
0x16: {  	s3 =	sld [smem:$0x3FDB];
	s0 =	simm.s32 @p2 $0x1  }
0x17: {  	s4 =	simm.s32 $0x1BF5;
	[smem:$0x3FBB] =	sst s0  }
0x18: {  	s0 =	sld [smem:$0x3F9E];
	_ =	swait.ge [sflag:s4], $0x0  }
0x19: {  	s7 =	sld [smem:$0x3F9F]  }
0x1a: {  	s8 =	sadd.s32 $0xFFFFE003, lr  }
0x1b: {  	s9 =	sadd.s32 $0xFFFFFEF7, lr;
	s5 =	simm.s32 $0xFFFFFFFF;
	p2 =	slt.u32 s8, $0xFFFFF086  }
0x1c: {  	p1 =	slt.u32 s9, $0xF7A;
	s5 =	simm.s32 @!p2 $0x0  }
0x1d: {  	s5 =	simm.s32 @p1 $0x1;
	p0 =	seq.s32 s7, s2  }
0x1e: {  	s7 =	smul.u32 @!p0 $0xF7A, s2;
	p2 =	seq.s32 @!p0 s5, $0x0  }
0x1f: {  	s9 =	smul.u32 $0xF7A, s1;
	s8 =	simm.s32 @!p0 $0x1BF5;
	p2 =	por !p2, p0  }
0x20: {  	[sflag:s8] =	ssyncset.s32 @!p0 $0xFFFFF086;
	s6 =	sadd.s32 @!p0 s3, s7;
	s7 =	simm.s32 @!p0 $0x108  }
0x21: {  	s3 =	sadd.s32 s3, s9;
	s6 =	sadd.s32 @!p0 $0x88, s6;
	s7 =	simm.s32 @p2 $0x1082  }
0x22: {  	[simem:s7], [sflag:s8] =	dma.local @!p0 [hbm:s6], $0xF7A  }
0x23: {  	s9 =	sor.u32 $0xD0000000, s2;
	s6 =	simm.s32 $0x108;
	_ =	swait.ge @!p0 [sflag:s8], $0x0  }
0x24: {  	s3 =	sadd.s32 $0x88, s3;
	s6 =	simm.s32 @!p1 $0x1082;
	[sflag:s4] =	ssyncset.s32 $0xFFFFF086  }
0x25: {  	[simem:s6], [sflag:s4] =	dma.local [hbm:s3], $0xF7A  }
0x26: {  	[smem:$0x3F9F] =	sst s1;
	(tag) =	ssettag s2;
	_ =	strace s9  }
0x27: {  	s1 =	sld [smem:$0x3FAF]  }
0x28: {  	s2 =	sld [smem:$0x3FB0]  }
0x29: {  	s4 =	sld [smem:$0x3FB2]  }
0x2a: {  	p0 =	seq.s32 s5, $0x0;
	s5 =	sld [smem:$0x3FB3]  }
0x2b: {  	s6 =	sld [smem:$0x3FB4]  }
0x2c: {  	s7 =	sld [smem:$0x3FB5]  }
0x2d: {  	s3 =	simm.s32 $0x108;
	s8 =	sld [smem:$0x3FB6]  }
0x2e: {  	s3 =	simm.s32 @!p0 $0x1082;
	s9 =	sld [smem:$0x3FB7]  }
0x2f: {  	lr =	sadd.s32 s0, s3;
	s0 =	sld [smem:$0x3FAE]  }
0x30: {  	s3 =	sld [smem:$0x3FB1]  }
0x31: {  	[smem:$0x3FBA] =	sst s10  }
0x32: {  	s10 =	sld [smem:$0x3FB8];
	_ =	sdelay $0x3  }
0x33: {  	p0 =	seq.s32 s10, $0x1;
	s10 =	sld [smem:$0x3FBA];
	_ =	sdelay $0x3  }
0x34: {  	[smem:$0x3FBA] =	sst s10  }
0x35: {  	s10 =	sld [smem:$0x3FB9];
	_ =	sdelay $0x3  }
0x36: {  	p1 =	seq.s32 s10, $0x1;
	s10 =	sld [smem:$0x3FBA];
	_ =	sdelay $0x3  }
0x37: {  	[smem:$0x3FBA] =	sst s10  }
0x38: {  	s10 =	sld [smem:$0x3FBB]  }
0x39: {  	_ = 	snop;
	(pc) =	sbr.ind lr, $3  }
0x3a: {  	_ = 	snop  }
0x3b: {  	_ = 	snop  }
0x3c: {  	p2 =	seq.s32 s10, $0x1;
	s10 =	sld [smem:$0x3FBA]  }
0x3d: {  	_ =	shalt  }
0x3e: {  	_ =	shalt  }
0x3f: {  	_ =	shalt  }
0x40: {  	_ =	shalt  }
0x41: {  	_ =	shalt  }
0x42: {  	_ =	shalt  }
0x43: {  	_ =	shalt  }
0x44: {  	_ =	shalt  }
0x45: {  	_ =	shalt  }
0x46: {  	_ =	shalt  }
0x47: {  	_ =	shalt  }
0x48: {  	_ =	shalt  }
0x49: {  	_ =	shalt  }
0x4a: {  	_ =	shalt  }
0x4b: {  	_ =	shalt  }
0x4c: {  	_ =	shalt  }
0x4d: {  	_ =	shalt  }
0x4e: {  	_ =	shalt  }
0x4f: {  	_ =	shalt  }
0x50: {  	_ =	shalt  }
0x51: {  	_ =	shalt  }
0x52: {  	_ =	shalt  }
0x53: {  	_ =	shalt  }
0x54: {  	_ =	shalt  }
0x55: {  	_ =	shalt  }
0x56: {  	_ =	shalt  }
0x57: {  	_ =	shalt  }
0x58: {  	_ =	shalt  }
0x59: {  	_ =	shalt  }
0x5a: {  	_ =	shalt  }
0x5b: {  	_ =	shalt  }
0x5c: {  	_ =	shalt  }
0x5d: {  	_ =	shalt  }
0x5e: {  	_ =	shalt  }
0x5f: {  	_ =	shalt  }
0x60: {  	_ =	shalt  }
0x61: {  	_ =	shalt  }
0x62: {  	_ =	shalt  }
0x63: {  	_ =	shalt  }
0x64: {  	_ =	shalt  }
0x65: {  	_ =	shalt  }
0x66: {  	_ =	shalt  }
0x67: {  	_ =	shalt  }
0x68: {  	_ =	shalt  }
0x69: {  	_ =	shalt  }
0x6a: {  	_ =	shalt  }
0x6b: {  	_ =	shalt  }
0x6c: {  	_ =	shalt  }
0x6d: {  	_ =	shalt  }
0x6e: {  	_ =	shalt  }
0x6f: {  	_ =	shalt  }
0x70: {  	_ =	shalt  }
0x71: {  	_ =	shalt  }
0x72: {  	_ =	shalt  }
0x73: {  	_ =	shalt  }
0x74: {  	_ =	shalt  }
0x75: {  	_ =	shalt  }
0x76: {  	_ =	shalt  }
0x77: {  	_ =	shalt  }
0x78: {  	_ =	shalt  }
0x79: {  	_ =	shalt  }
0x7a: {  	_ =	shalt  }
0x7b: {  	_ =	shalt  }
0x7c: {  	_ =	shalt  }
0x7d: {  	_ =	shalt  }
0x7e: {  	_ =	shalt  }
0x7f: {  	_ =	shalt  }
0x80: {  	_ =	shalt  }
0x81: {  	_ =	shalt  }
0x82: {  	_ =	shalt  }
0x83: {  	_ =	shalt  }
0x84: {  	_ =	shalt  }
0x85: {  	_ =	shalt  }
0x86: {  	_ =	shalt  }
0x87: {  	_ =	shalt  }
.Lfunc_end0:
.L_simem_size_0:
called_computation_lowered:
.L_overlay_start_0:
0x88: {  	s0 =	sld [smem:$0x3FD9]  }
0x89: {  	s1 =	sld [smem:$0x3FFE];
	_ =	sdelay $0x3  }
0x8a: {  	s0 =	sadd.s32 s1, s0  }
0x8b: {  	[smem:$0x3FC6] =	sst s0  }
0x8c: {  	_ = 	snop  }
0x8d: {  	s0 =	sld [smem:$0x3FC9]  }
0x8e: {  	s17 =	sld [smem:$0x3FC8]  }
0x8f: {  	s2 =	sld [smem:$0x3FD0];
	(tm) =	ssettm $0x1  }
0x90: {  	s3 =	sld [smem:$0x3FFB];
	_ =	sdelay $0x3  }
0x91: {  	_ =	strace s3  }
0x92: {  	s3 =	sld [smem:$0x3FFC];
	_ =	sdelay $0x3  }
0x93: {  	_ =	strace s3  }
0x94: {  	s3 =	sld [smem:$0x3FFD];
	_ =	sdelay $0x3  }
0x95: {  	_ =	strace s3  }
0x96: {  	_ =	strace $0x8FFFFFFF  }
0x97: {  	s18 =	sld [smem:$0x3FDB];
	_ =	sdelay $0x1  }
0x98: {  	s4 =	simm.s32 $_scs_section_size  }
0x99: {  	s5 =	simm.s32 $_size__tile_overlayer_lowered;
	s6 =	simm.s32 $_tile_overlayer_lowered  }
0x9a: {  	s21 =	simm.s32 $0x1BFF;
	s20 =	sshll.u32 s6, $0x1;
	s3 =	sadd.s32 s4, s18  }
0x9b: {  	s7 =	simm.s32 $0x0;
	s19 =	sshll.u32 s5, $0x1;
	s5 =	sadd.s32 s20, s3  }
0x9c: {  	[timem:s7], [sflag:s21] =	dma.local [hbm:s5], s19  }
0x9d: {  	_ =	swait.ge [sflag:s21], s19  }
0x9e: {  	s4 =	ssub.s32 $0x0, s19;
	[sflag:s21] =	ssyncset.done $0x0  }
0x9f: {  	[sflag:s21] =	ssyncadd.s32 s4;
	_ =	sdelay $0x1  }
0xa0: {  	s22 =	simm.s32 $0x1B8B  }
0xa1: {  	_ =	swait.ge [sflag:s22], $0x1  }
0xa2: {  	[sflag:s22] =	ssyncset.done $0x0  }
0xa3: {  	s23 =	simm.s32 $0x1B8E;
	[sflag:s22] =	ssyncadd.s32 $0xFFFFFFFF  }
0xa4: {  	s24 =	simm.s32 $execute0_lowered;
	[smem:$0x3FD2] =	sst s23  }
0xa5: {  	s4 =	sshll.u32 s24, $0x1;
	_ =	strace $0x80000046;
	[dreg:$0x1] =	wrdreg $0xFFFFFFFF  }
0xa6: {  	s25 =	simm.s32 $_size_execute0_lowered;
	s3 =	sadd.s32 s3, s4;
	[dreg:$0x0] =	wrdreg $0x0  }
0xa7: {  	s4 =	sshll.u32 s25, $0x1;
	[dreg:$0x2] =	wrdreg s3  }
0xa8: {  	[dreg:$0x3] =	wrdreg s4  }
0xa9: {  	[dreg:$0x4] =	wrdreg $0xC0  }
0xaa: {  	_ =	task [dreg:s7], $0x5FFFF  }
0xab: {  	[dreg:$0x1] =	wrdreg $0xFFFFFFFF  }
0xac: {  	[dreg:$0x0] =	wrdreg $0x60  }
0xad: {  	[dreg:$0x2] =	wrdreg s0  }
0xae: {  	[dreg:$0x3] =	wrdreg s17  }
0xaf: {  	[dreg:$0x4] =	wrdreg s2  }
0xb0: {  	[dreg:$0x5] =	wrdreg $0xD000  }
0xb1: {  	[dreg:$0x6] =	wrdreg $0x9  }
0xb2: {  	_ =	task.clear_ibuf [dreg:s7], $0x7FFFF;
	_ =	strace $0x90000046  }
0xb3: {  	s26 =	simm.s32 $0x9;
	_ =	strace $0x80000048  }
0xb4: {  	_ =	swait.ge [sflag:s26], $0x1  }
0xb5: {  	[sflag:s26] =	ssyncadd.s32 $0xFFFFFFFF  }
0xb6: {  	_ =	strace $0x90000048  }
0xb7: {  	_ =	sfence  }
0xb8: {  	s28 =	sld [smem:$0x0];
	_ =	sdelay $0x1  }
0xb9: {  	s29 =	srdreg.scid  }
0xba: {  	s30 =	sshll.u32 s29, $0xD;
	s31 =	sshrl.u32 s29, $0x2  }
0xbb: {  	s1 =	sand.u32 $0x1, s29;
	s2 =	sand.u32 $0x4000, s30;
	s0 =	sadd.s32 s31, s28  }
0xbc: {  	s1 =	sor.u32 s2, s1;
	s0 =	sshll.u32 s0, $0x11  }
0xbd: {  	s0 =	sor.u32 s0, s1  }
0xbe: {  	s0 =	sadd.s32 $0x8F2B, s0  }
0xbf: {  	[sflag:s0] =	ssyncadd.remote.s32 $0x1  }
0xc0: {  	_ =	sfence.sel $0xFFFF  }
0xc1: {  	[dreg:$0x0] =	wrdreg $0xFFFFFFFF;
	(pc) =	sbr.abs _section_cstart, $3  }
0xc2: {  	[dreg:$0x1] =	wrdreg $0xFFFFFFFF  }
0xc3: {  	_ =	task.clear_ibuf [dreg:s7], $0x2FFFF;
	_ =	strace $0x9FFFFFFF  }
0xc4: {  	(tm) =	ssettm $0x7FFFFFFF  }
0xc5: {  	_ =	shalt  }
tec
execute0_lowered:
.L_overlay_start_1:
0x0: {  	(tag) =	ssettag $0x1  }
0x1: {  	s2 =	rddreg [dreg:$0x0]  }
0x2: {  	s3 =	rddreg [dreg:$0x1]  }
0x3: {  	s1 =	rddreg [dreg:$0x2]  }
0x4: {  	s4 =	rddreg [dreg:$0x3];
	s5 =	simm.s32 $0x0;
	s6 =	stileid.u32  }
0x5: {  	[smem:$0x7FF] =	sst s5;
	s7 =	sshll.u32 s6, $0x7  }
0x6: {  	s0 =	rddreg [dreg:$0x4];
	_ =	strace $0x80000047;
	s2 =	sadd.s32 s2, s7  }
0x7: {  	[tilespmem:s5], [sflag:$0x1] =	stream.linear.gather [hbm4b:s2+s5], $0x400, $0x38;
	[tilespmem:$0xD40] =	vst v63  }
0x8: {  	s25 =	simm.s32 $0x400;
	s24 =	sadd.s32 s3, s7  }
0x9: {  	v0 =	vimm.f32 $0.0e+00;
	[tilespmem:s25], [sflag:$0x2] =	stream.linear.gather [hbm4b:s24+s5], $0x400, $0x38;
	[tilespmem:$0xD40] =	vst v63  }
0xa: {  	[tilespmem:$0x800] =	vst v0  }
0xb: {  	[tilespmem:$0x810] =	vst v0  }
0xc: {  	[tilespmem:$0x820] =	vst v0  }
0xd: {  	s26 =	simm.s32 $0x1;
	[tilespmem:$0x830] =	vst v0  }
0xe: {  	_ =	swait.ge [sflag:s26], $0x400  }
0xf: {  	[sflag:s26] =	ssyncset.done $0x0  }
0x10: {  	s28 =	simm.s32 $0x2;
	[sflag:s26] =	ssyncadd.s32 $0xFFFFFC00  }
0x11: {  	_ =	swait.ge [sflag:s28], $0x400  }
0x12: {  	[sflag:s28] =	ssyncset.done $0x0  }
0x13: {  	[sflag:s28] =	ssyncadd.s32 $0xFFFFFC00  }
0x14: {  	v63 =	vld [tilespmem:$0x0]  }
0x15: {  	v1 =	vld [tilespmem:$0x400];
	_ =	sdelay $0x4  }
0x16: {  	v0 =	vadd.f32 v1, v63  }
0x17: {  	s29 =	sshll.u32 s6, $0x6  }
0x18: {  	s30 =	simm.s32 $0x800;
	s31 =	simm.s32 $0x3;
	s2 =	sadd.s32 s29, s4;
	[tilespmem:$0x800] =	vst v0  }
0x19: {  	[spmem:s2] =	stream.linear.scatter [tilespmem:s30], [sflag:$0x3], $0x40, $0x38;
	[tilespmem:$0xD40] =	vst v63  }
0x1a: {  	_ =	swait.ge [sflag:s31], $0x40  }
0x1b: {  	[sflag:s31] =	ssyncset.done $0x0  }
0x1c: {  	[sflag:s31] =	ssyncadd.s32 $0xFFFFFFC0  }
0x1d: {  	p0 =	sne.s32 s6, $0x0;
	[bflag:$0x0] =	sbarrier.arrive $0xFFFF  }
0x1e: {  	_ =	sfence.sel @p0 $0x180000  }
0x1f: {  	[bflag:$0x0] =	sbarrier.arrive @p0 $0xFFFF  }
0x20: {  	_ =	strace @p0 $0x90000047  }
0x21: {  	s2 =	simm.s32 @!p0 $0x880;
	[bflag:$0x2] =	sbarrier.arrive @p0 $0xFFFF  }
0x22: {  	[tilespmem:s2], [sflag:$0x3] =	stream.linear.gather @!p0 [spmem:s4], $0x400, $0x38;
	[tilespmem:$0xD40] =	vst v63  }
0x23: {  	s2 =	simm.s32 @!p0 $0x3  }
0x24: {  	_ =	swait.ge @!p0 [sflag:s2], $0x400  }
0x25: {  	[sflag:s2] =	ssyncset.done @!p0 $0x0  }
0x26: {  	[sflag:s2] =	ssyncadd.s32 @!p0 $0xFFFFFC00  }
0x27: {  	v0 =	vld @!p0 [tilespmem:$0x880];
	_ =	sdelay $0x1  }
0x28: {  	v1 =	vld @!p0 [tilespmem:$0x8C0];
	_ =	sdelay $0x1  }
0x29: {  	v2 =	vld @!p0 [tilespmem:$0x900]  }
0x2a: {  	v0 =	vadd.f32 @!p0 $0.0e+00, v0  }
0x2b: {  	v3 =	vld @!p0 [tilespmem:$0x940]  }
0x2c: {  	v0 =	vadd.f32 @!p0 v1, v0  }
0x2d: {  	v1 =	vld @!p0 [tilespmem:$0x980]  }
0x2e: {  	v0 =	vadd.f32 @!p0 v2, v0  }
0x2f: {  	v2 =	vld @!p0 [tilespmem:$0x9C0]  }
0x30: {  	v0 =	vadd.f32 @!p0 v3, v0  }
0x31: {  	v3 =	vld @!p0 [tilespmem:$0xA00]  }
0x32: {  	v0 =	vadd.f32 @!p0 v1, v0  }
0x33: {  	v1 =	vld @!p0 [tilespmem:$0xA40]  }
0x34: {  	v0 =	vadd.f32 @!p0 v2, v0  }
0x35: {  	v2 =	vld @!p0 [tilespmem:$0xA80]  }
0x36: {  	v0 =	vadd.f32 @!p0 v3, v0  }
0x37: {  	v3 =	vld @!p0 [tilespmem:$0xAC0]  }
0x38: {  	v0 =	vadd.f32 @!p0 v1, v0  }
0x39: {  	v1 =	vld @!p0 [tilespmem:$0xB00]  }
0x3a: {  	v0 =	vadd.f32 @!p0 v2, v0  }
0x3b: {  	v2 =	vld @!p0 [tilespmem:$0xB40]  }
0x3c: {  	v0 =	vadd.f32 @!p0 v3, v0  }
0x3d: {  	v3 =	vld @!p0 [tilespmem:$0xB80]  }
0x3e: {  	v0 =	vadd.f32 @!p0 v1, v0  }
0x3f: {  	v1 =	vld @!p0 [tilespmem:$0xBC0]  }
0x40: {  	v0 =	vadd.f32 @!p0 v2, v0  }
0x41: {  	v2 =	vld @!p0 [tilespmem:$0xC00]  }
0x42: {  	v0 =	vadd.f32 @!p0 v3, v0  }
0x43: {  	v3 =	vld @!p0 [tilespmem:$0xC40]  }
0x44: {  	v0 =	vadd.f32 @!p0 v1, v0;
	_ =	sdelay $0x1  }
0x45: {  	v0 =	vadd.f32 @!p0 v2, v0;
	_ =	sdelay $0x1  }
0x46: {  	v0 =	vadd.f32 @!p0 v3, v0;
	_ =	sdelay $0x1  }
0x47: {  	s3 =	simm.s32 @!p0 $0x0;
	s4 =	simm.s32 @!p0 $0xC80;
	[tilespmem:$0xC80] =	vst @!p0 v0  }
0x48: {  	[hbm4b:s1+s3] =	stream.linear.scatter @!p0 [tilespmem:s4], [sflag:$0x3], $0x80, $0x38;
	[tilespmem:$0xD40] =	vst v63  }
0x49: {  	_ =	swait.ge @!p0 [sflag:s2], $0x80  }
0x4a: {  	[sflag:s2] =	ssyncset.done @!p0 $0x0  }
0x4b: {  	[sflag:s2] =	ssyncadd.s32 @!p0 $0xFFFFFF80  }
0x4c: {  	_ =	sfence.sel @!p0 $0x180000  }
0x4d: {  	[bflag:$0x0] =	sbarrier.arrive @!p0 $0xFFFF  }
0x4e: {  	_ =	strace @!p0 $0x90000047  }
0x4f: {  	s0 =	sadd.s32 @!p0 $0x100000, s0;
	[bflag:$0x2] =	sbarrier.arrive @!p0 $0xFFFF  }
0x50: {  	[sflag:s0] =	ssyncadd.tile.s32 @!p0 $0x1;
	_ =	shalt  }
.Lfunc_end2:
_tile_overlayer_lowered:
.L_overlay_start_2:
0x51: {  	(tag) =	ssettag $0x2  }
0x52: {  	s0 =	rddreg [dreg:$0x0];
	s2 =	stileid.u32  }
0x53: {  	s1 =	rddreg [dreg:$0x1];
	p0 =	sne.s32 s2, $0x0  }
0x54: {  	s3 =	rddreg [dreg:$0x2];
	[bflag:$0x3] =	sbarrier.arrive $0xFFFF;
	s2 =	simm.s32 @!p0 $0x1C03  }
0x55: {  	[timem:s3], [sflag:s2] =	dma.local @!p0 [hbm:s0], s1  }
0x56: {  	s0 =	simm.s32 @!p0 $0x3  }
0x57: {  	_ =	swait.ge @!p0 [sflag:s0], s1  }
0x58: {  	s1 =	ssub.s32 @!p0 $0x0, s1;
	[sflag:s0] =	ssyncset.done @!p0 $0x0  }
0x59: {  	[sflag:s0] =	ssyncadd.s32 @!p0 s1  }
0x5a: {  	[bflag:$0x3] =	sbarrier.arrive $0xFFFF  }
0x5b: {  	_ =	shalt  }

</sc_bundles>
